<compile_context>
chip_gen: v7x
topology: tpu7x:2x2x1
jax: 0.10.2.dev20260603
libtpu: 0.0.44.dev20260713+nightly
codegen_flags: <defaults>
</compile_context>

<pallas_src>
import functools

import jax
import jax.numpy as jnp
from jax import lax
from jax.experimental import pallas as pl
from jax.experimental.pallas import tpu as pltpu
from jax.experimental.pallas import tpu_sc as plsc

V = 100000
D = 2048
B = 64
VB = 2048
NB = (V + VB - 1) // VB
VPAD = NB * VB
BISECT_ROUNDS = 26
LO_BITS = 0x33000000
HI_BITS = 0x3F800000


def _bits_f32(i):
    import numpy as np
    return float(np.int32(i).view(np.float32))


def _quarter_mids(lo, hi):
    gap = hi - lo
    return lo + (gap >> 2), lo + (gap >> 1), hi - (gap >> 2)


_M1_0, _M2_0, _M3_0 = _quarter_mids(LO_BITS, HI_BITS)
_T1_0, _T2_0, _T3_0 = _bits_f32(_M1_0), _bits_f32(_M2_0), _bits_f32(_M3_0)

_RPW = 8
_NW_USED = B // _RPW


def _sc_gather(table, idx):
    info = plsc.get_sparse_core_info()
    nc = info.num_cores
    mesh = plsc.VectorSubcoreMesh(core_axis_name="c", subcore_axis_name="s")

    @functools.partial(
        pl.kernel,
        out_type=jax.ShapeDtypeStruct((B, D), jnp.float32),
        mesh=mesh,
        scratch_types=[
            pltpu.VMEM((_RPW,), jnp.int32),
            pltpu.VMEM((_RPW, D), jnp.float32),
            pltpu.SemaphoreType.DMA,
        ],
    )
    def k(table_hbm, idx_hbm, out_hbm, idx_v, rows_v, sem):
        wid = lax.axis_index("s") * nc + lax.axis_index("c")

        @pl.when(wid < _NW_USED)
        def _():
            base = wid * _RPW
            pltpu.sync_copy(idx_hbm.at[pl.ds(base, _RPW)], idx_v)
            pltpu.async_copy(table_hbm.at[idx_v], rows_v, sem).wait()
            pltpu.sync_copy(rows_v, out_hbm.at[pl.ds(base, _RPW)])

    return k(table, idx)


def _sampler_body(hs_ref, emb_ref, temp_ref, top_ref, out_ref, ids_ref,
                  xs_ref, m_ref, z_ref, thr_ref, den_ref, gidx_ref):
    i = pl.program_id(0)

    @pl.when(i < NB)
    def _matmul():
        x = lax.dot_general(hs_ref[...], emb_ref[...],
                            (((1,), (1,)), ((), ())),
                            preferred_element_type=jnp.float32)
        x = x * (1.0 / temp_ref[...])
        col = i * VB + lax.broadcasted_iota(jnp.int32, (B, VB), 1)
        x = jnp.where(col < V, x, -1e30)
        xs_ref[:, pl.ds(pl.multiple_of(i * VB, VB), VB)] = x
        bm = jnp.max(x, axis=1, keepdims=True)
        bi = jnp.argmax(x, axis=1).astype(jnp.int32)[:, None] + i * VB

        @pl.when(i == 0)
        def _():
            m_ref[...] = bm
            gidx_ref[...] = bi

        @pl.when(i > 0)
        def _():
            upd = bm > m_ref[...]
            gidx_ref[...] = jnp.where(upd, bi, gidx_ref[...])
            m_ref[...] = jnp.maximum(m_ref[...], bm)

    @pl.when(i == NB)
    def _threshold():
        m = m_ref[...]
        zero = jnp.zeros((B, 1), jnp.float32)

        ecb = VPAD // 14

        def expz(k, carry):
            z, s1, s2, s3 = carry
            sl = pl.ds(pl.multiple_of(k * ecb, ecb), ecb)
            u = jnp.exp(xs_ref[:, sl] - m)
            xs_ref[:, sl] = u
            z = z + jnp.sum(u, axis=1, keepdims=True)
            s1 = s1 + jnp.sum(jnp.where(u > _T1_0, u, 0.0), axis=1, keepdims=True)
            s2 = s2 + jnp.sum(jnp.where(u > _T2_0, u, 0.0), axis=1, keepdims=True)
            s3 = s3 + jnp.sum(jnp.where(u > _T3_0, u, 0.0), axis=1, keepdims=True)
            return z, s1, s2, s3

        z, s1, s2, s3 = lax.fori_loop(0, 14, expz, (zero, zero, zero, zero))
        c = top_ref[...] * z

        def narrow(lo, hi, slo, m1, m2, m3, s1, s2, s3):
            p1, p2, p3 = s1 <= c, s2 <= c, s3 <= c
            hi_n = jnp.where(p1, m1, jnp.where(p2, m2, jnp.where(p3, m3, hi)))
            lo_n = jnp.where(p1, lo, jnp.where(p2, m1, jnp.where(p3, m2, m3)))
            slo_n = jnp.where(p1, slo, jnp.where(p2, s1, jnp.where(p3, s2, s3)))
            return lo_n, hi_n, slo_n

        lo0 = jnp.full((B, 1), LO_BITS, jnp.int32)
        hi0 = jnp.full((B, 1), HI_BITS, jnp.int32)
        m1_0 = jnp.full((B, 1), _M1_0, jnp.int32)
        m2_0 = jnp.full((B, 1), _M2_0, jnp.int32)
        m3_0 = jnp.full((B, 1), _M3_0, jnp.int32)
        lo, hi, slo = narrow(lo0, hi0, z, m1_0, m2_0, m3_0, s1, s2, s3)

        def bisect(_, carry):
            lo, hi, slo = carry
            mid = lo + ((hi - lo) >> 1)
            t = lax.bitcast_convert_type(mid, jnp.float32)
            u = xs_ref[...]
            s = jnp.sum(jnp.where(u > t, u, 0.0), axis=1, keepdims=True)
            pred = s <= c
            return (jnp.where(pred, lo, mid), jnp.where(pred, mid, hi),
                    jnp.where(pred, slo, s))

        lo, hi, slo = lax.fori_loop(0, BISECT_ROUNDS, bisect, (lo, hi, slo))
        z_ref[...] = z
        thr_ref[...] = lax.bitcast_convert_type(hi, jnp.float32)
        den_ref[...] = slo / z

    @pl.when(i > NB)
    def _emit():
        blk = i - NB - 1
        u = xs_ref[:, pl.ds(pl.multiple_of(blk * VB, VB), VB)]
        r = 1.0 / (z_ref[...] * den_ref[...])
        out_ref[...] = jnp.where(u >= thr_ref[...], u * r, 0.0)

        @pl.when(i == 2 * NB)
        def _():
            ids_ref[...] = gidx_ref[...]


_GRID = (2 * NB + 1,)
_IN_SPECS = [
    pl.BlockSpec((B, D), lambda i: (0, 0)),
    pl.BlockSpec((VB, D), lambda i: (jnp.minimum(i, NB - 1), 0)),
    pl.BlockSpec((B, 1), lambda i: (0, 0)),
    pl.BlockSpec((B, 1), lambda i: (0, 0)),
]
_OUT_SPECS = [
    pl.BlockSpec((B, VB), lambda i: (0, jnp.maximum(0, i - (NB + 1)))),
    pl.BlockSpec((B, 1), lambda i: (0, 0)),
]
_OUT_SHAPE = [
    jax.ShapeDtypeStruct((B, V), jnp.float32),
    jax.ShapeDtypeStruct((B, 1), jnp.int32),
]
_SCRATCH = [
    pltpu.VMEM((B, VPAD), jnp.float32),
    pltpu.VMEM((B, 1), jnp.float32),
    pltpu.VMEM((B, 1), jnp.float32),
    pltpu.VMEM((B, 1), jnp.float32),
    pltpu.VMEM((B, 1), jnp.float32),
    pltpu.VMEM((B, 1), jnp.int32),
]


def kernel(embedding, hidden_states, last_token_indices, temperatures, top_ps):
    hs = _sc_gather(hidden_states, last_token_indices.astype(jnp.int32))
    probs, ids = pl.pallas_call(
        _sampler_body,
        grid=_GRID,
        in_specs=_IN_SPECS,
        out_specs=_OUT_SPECS,
        out_shape=_OUT_SHAPE,
        scratch_shapes=_SCRATCH,
        compiler_params=pltpu.CompilerParams(vmem_limit_bytes=120 * 1024 * 1024),
    )(hs, embedding, temperatures[:, None], top_ps[:, None])
    return probs, ids.reshape(B)

# --- scband reference (transcript-rebuilt; emitter-appended) ---
"""Pipeline reference for scband-sampler-10453950398946 (READ-ONLY COPY).

The authoritative reference and input builder live on the scoring server;
editing this copy changes nothing except your own understanding.
"""

import jax, jax.numpy as jnp
import numpy as np

VOCAB = 100000
D_MODEL = 2048
TOTAL_TOK = 4096
B = 64

def setup_inputs(seed: int = 0) -> dict:
    key = jax.random.key(seed)
    k1, k2, k3, k4, k5 = jax.random.split(key, 5)
    embedding = jax.random.normal(k1, (VOCAB, D_MODEL), dtype=jnp.float32) * 0.02
    hidden_states = jax.random.normal(k2, (TOTAL_TOK, D_MODEL), dtype=jnp.float32)
    last_token_indices = jax.random.randint(k3, (B,), 0, TOTAL_TOK, dtype=jnp.int64 if jax.config.jax_enable_x64 else jnp.int32)
    temperatures = jax.random.uniform(k4, (B,), dtype=jnp.float32, minval=0.5, maxval=1.5)
    top_ps = jax.random.uniform(k5, (B,), dtype=jnp.float32, minval=0.7, maxval=0.99)
    return {
        "embedding": embedding,
        "hidden_states": hidden_states,
        "last_token_indices": last_token_indices,
        "temperatures": temperatures,
        "top_ps": top_ps,
    }

def reference(embedding, hidden_states, last_token_indices, temperatures, top_ps):
    # 1. Gather last-token hidden states (vLLM last_token_indicies gather)
    hs = jnp.take(hidden_states, last_token_indices, axis=0)  # [B, D]
    # 2. LM-head projection: logits = hs @ embedding^T
    logits = hs @ embedding.T  # [B, VOCAB]
    # 3. Temperature-scaled softmax (_compute_prob)
    probs = jax.nn.softmax(logits / temperatures[:, None], axis=-1)
    # 4. Top-p (nucleus) filtering (_apply_top_p)
    sort_idx = jnp.argsort(-probs, axis=-1)                       # descending sort indices
    probs_sort = jnp.take_along_axis(probs, sort_idx, axis=-1)    # sorted probs
    probs_sum = jnp.cumsum(probs_sort, axis=-1)
    mask = (probs_sum - probs_sort) > top_ps[:, None]
    probs_sort = jnp.where(mask, 0.0, probs_sort)
    probs_sort = probs_sort / jnp.sum(probs_sort, axis=-1, keepdims=True)
    inv_idx = jnp.argsort(sort_idx, axis=-1)
    probs_final = jnp.take_along_axis(probs_sort, inv_idx, axis=-1)
    # 5. Sample (deterministic argmax stand-in for multinomial draw, as in temperature==0 path)
    next_token_ids = jnp.argmax(probs_final, axis=-1)
    return probs_final, next_token_ids

if __name__ == "__main__":
    import jax
    _d = setup_inputs()
    print(jax.jit(kernel)(*tuple(_d.values())))

</pallas_src>

<mosaic_0001>
#map = affine_map<(d0, d1) -> (0, 0)>
#map1 = affine_map<(d0, d1) -> (0)>
module attributes {stable_mosaic.version = 14 : i64} {
  func.func @k(%arg0: i32, %arg1: i32, %arg2: memref<4096x2048xf32, #tpu.memory_space<hbm>>, %arg3: memref<64xi32, #tpu.memory_space<hbm>>, %arg4: memref<64x2048xf32, #tpu.memory_space<hbm>>, %arg5: memref<8xi32, #tpu.memory_space<vmem>>, %arg6: memref<8x2048xf32, #tpu.memory_space<vmem>>, %arg7: memref<!tpu.dma_semaphore, #tpu.memory_space<semaphore_mem>>) attributes {dimension_semantics = [#tpu.dimension_semantics<core_parallel>, #tpu.dimension_semantics<subcore_parallel>], iteration_bounds = array<i64: 2, 16>, scalar_prefetch = 0 : i64, scratch_operands = 3 : i64, tpu.core_type = #tpu.core_type<sc_vector_subcore>, window_params = [{transform_indices = #map}, {transform_indices = #map1}, {transform_indices = #map}]} {
    %mul3A = arith.constant 2 : i32
    %mul3A_0 = arith.muli %arg1, %mul3A : i32
    %add3A = arith.addi %mul3A_0, %arg0 : i32
    %lt3A = arith.constant 8 : i32
    %lt3A_1 = arith.cmpi slt, %add3A, %lt3A : i32
    %convert_element_type3A = arith.extui %lt3A_1 : i1 to i32
    %cond3A = arith.constant 0 : i32
    %cond3A_2 = arith.cmpi ne, %convert_element_type3A, %cond3A : i32
    scf.if %cond3A_2 {
      %mul3A_3 = arith.constant 8 : i32
      %mul3A_4 = arith.muli %add3A, %mul3A_3 : i32
      "tpu.region"() ({
        %run_scoped3A = tpu.sem_alloc : memref<!tpu.dma_semaphore, #tpu.memory_space<semaphore_mem>>
        %dma_start3A_9 = tpu.memref_slice %arg3[%mul3A_4] : memref<64xi32, #tpu.memory_space<hbm>> -> memref<8xi32, #tpu.memory_space<hbm>>
        %dma_start3A_10 = tpu.memref_slice %arg3[%mul3A_4] : memref<64xi32, #tpu.memory_space<hbm>> -> memref<8xi32, #tpu.memory_space<hbm>>
        tpu.enqueue_dma source(%dma_start3A_10 : memref<8xi32, #tpu.memory_space<hbm>>) target(%arg5 : memref<8xi32, #tpu.memory_space<vmem>>) target_semaphore(%run_scoped3A : memref<!tpu.dma_semaphore, #tpu.memory_space<semaphore_mem>>)
        %dma_wait3A_11 = tpu.memref_slice %arg3[%mul3A_4] : memref<64xi32, #tpu.memory_space<hbm>> -> memref<8xi32, #tpu.memory_space<hbm>>
        %dma_wait3A_12 = tpu.memref_slice %arg3[%mul3A_4] : memref<64xi32, #tpu.memory_space<hbm>> -> memref<8xi32, #tpu.memory_space<hbm>>
        tpu.wait_dma2 semaphore(%run_scoped3A : memref<!tpu.dma_semaphore, #tpu.memory_space<semaphore_mem>>) src(%dma_wait3A_12 : memref<8xi32, #tpu.memory_space<hbm>>) dst(%arg5 : memref<8xi32, #tpu.memory_space<vmem>>)
        tpu.yield
      }) : () -> ()
      %dma_start3A = arith.constant 0 : i32
      %dma_start3A_5 = arith.constant 0 : i32
      %dma_start3A_6 = tpu.memref_slice %arg2[%dma_start3A, %dma_start3A_5] : memref<4096x2048xf32, #tpu.memory_space<hbm>> -> memref<4096x2048xf32, #tpu.memory_space<hbm>>
      tpu.enqueue_indirect_dma source(%dma_start3A_6 : memref<4096x2048xf32, #tpu.memory_space<hbm>>) target(%arg6 : memref<8x2048xf32, #tpu.memory_space<vmem>>) offsets(%arg5 : memref<8xi32, #tpu.memory_space<vmem>>) semaphore(%arg7 : memref<!tpu.dma_semaphore, #tpu.memory_space<semaphore_mem>>)
      %dma_wait3A = arith.constant 0 : i32
      %dma_wait3A_7 = arith.constant 0 : i32
      %dma_wait3A_8 = tpu.memref_slice %arg2[%dma_wait3A, %dma_wait3A_7] : memref<4096x2048xf32, #tpu.memory_space<hbm>> -> memref<4096x2048xf32, #tpu.memory_space<hbm>>
      tpu.wait_indirect_dma semaphore(%arg7 : memref<!tpu.dma_semaphore, #tpu.memory_space<semaphore_mem>>) src(%dma_wait3A_8 : memref<4096x2048xf32, #tpu.memory_space<hbm>>) dst(%arg6 : memref<8x2048xf32, #tpu.memory_space<vmem>>)
      "tpu.region"() ({
        %run_scoped3A = tpu.sem_alloc : memref<!tpu.dma_semaphore, #tpu.memory_space<semaphore_mem>>
        %dma_start3A_9 = arith.constant 0 : i32
        %dma_start3A_10 = tpu.memref_slice %arg4[%mul3A_4, %dma_start3A_9] : memref<64x2048xf32, #tpu.memory_space<hbm>> -> memref<8x2048xf32, #tpu.memory_space<hbm>>
        %dma_start3A_11 = arith.constant 0 : i32
        %dma_start3A_12 = tpu.memref_slice %arg4[%mul3A_4, %dma_start3A_11] : memref<64x2048xf32, #tpu.memory_space<hbm>> -> memref<8x2048xf32, #tpu.memory_space<hbm>>
        tpu.enqueue_dma source(%arg6 : memref<8x2048xf32, #tpu.memory_space<vmem>>) target(%dma_start3A_12 : memref<8x2048xf32, #tpu.memory_space<hbm>>) target_semaphore(%run_scoped3A : memref<!tpu.dma_semaphore, #tpu.memory_space<semaphore_mem>>)
        %dma_wait3A_13 = arith.constant 0 : i32
        %dma_wait3A_14 = tpu.memref_slice %arg4[%mul3A_4, %dma_wait3A_13] : memref<64x2048xf32, #tpu.memory_space<hbm>> -> memref<8x2048xf32, #tpu.memory_space<hbm>>
        %dma_wait3A_15 = arith.constant 0 : i32
        %dma_wait3A_16 = tpu.memref_slice %arg4[%mul3A_4, %dma_wait3A_15] : memref<64x2048xf32, #tpu.memory_space<hbm>> -> memref<8x2048xf32, #tpu.memory_space<hbm>>
        tpu.wait_dma2 semaphore(%run_scoped3A : memref<!tpu.dma_semaphore, #tpu.memory_space<semaphore_mem>>) src(%arg6 : memref<8x2048xf32, #tpu.memory_space<vmem>>) dst(%dma_wait3A_16 : memref<8x2048xf32, #tpu.memory_space<hbm>>)
        tpu.yield
      }) : () -> ()
    } else {
    }
    return
  }
}

module attributes {stable_mosaic.version = 14 : i64} {
  func.func @_sampler_body(%arg0: i32, %arg1: memref<64x2048xf32, #tpu.memory_space<vmem>>, %arg2: memref<2048x2048xf32, #tpu.memory_space<vmem>>, %arg3: memref<64x1xf32, #tpu.memory_space<vmem>>, %arg4: memref<64x1xf32, #tpu.memory_space<vmem>>, %arg5: memref<64x2048xf32, #tpu.memory_space<vmem>>, %arg6: memref<64x1xi32, #tpu.memory_space<vmem>>, %arg7: memref<64x100352xf32, #tpu.memory_space<vmem>>, %arg8: memref<64x1xf32, #tpu.memory_space<vmem>>, %arg9: memref<64x1xf32, #tpu.memory_space<vmem>>, %arg10: memref<64x1xf32, #tpu.memory_space<vmem>>, %arg11: memref<64x1xf32, #tpu.memory_space<vmem>>, %arg12: memref<64x1xi32, #tpu.memory_space<vmem>>) attributes {dimension_semantics = [#tpu.dimension_semantics<arbitrary>], iteration_bounds = array<i64: 99>, scalar_prefetch = 0 : i64, scratch_operands = 6 : i64, tpu.core_type = #tpu.core_type<tc>, window_params = [{pipeline_mode = #tpu.pipeline_mode<synchronous>, transform_indices = @transform_0, window_bounds = array<i64: 64, 2048>}, {transform_indices = @transform_1, window_bounds = array<i64: 2048, 2048>}, {pipeline_mode = #tpu.pipeline_mode<synchronous>, transform_indices = @transform_2, window_bounds = array<i64: 64, 1>}, {pipeline_mode = #tpu.pipeline_mode<synchronous>, transform_indices = @transform_3, window_bounds = array<i64: 64, 1>}, {transform_indices = @transform_4, window_bounds = array<i64: 64, 2048>}, {pipeline_mode = #tpu.pipeline_mode<synchronous>, transform_indices = @transform_5, window_bounds = array<i64: 64, 1>}]} {
    %lt3A = arith.constant 49 : i32
    %lt3A_0 = arith.cmpi slt, %arg0, %lt3A : i32
    %convert_element_type3A = arith.extui %lt3A_0 : i1 to i32
    %cond3A = arith.constant 0 : i32
    %cond3A_1 = arith.cmpi ne, %convert_element_type3A, %cond3A : i32
    scf.if %cond3A_1 {
      %get3A = arith.constant 0 : index
      %get3A_10 = arith.constant 0 : index
      %get3A_11 = vector.load %arg1[%get3A, %get3A_10] : memref<64x2048xf32, #tpu.memory_space<vmem>>, vector<64x2048xf32>
      %get3A_12 = arith.constant 0 : index
      %get3A_13 = arith.constant 0 : index
      %get3A_14 = vector.load %arg2[%get3A_12, %get3A_13] : memref<2048x2048xf32, #tpu.memory_space<vmem>>, vector<2048x2048xf32>
      %dot_general3A = arith.constant dense<0.000000e+00> : vector<64x2048xf32>
      %dot_general3A_15 = tpu.matmul %get3A_11, %get3A_14, %dot_general3A {dimension_numbers = #tpu.dot_dimension_numbers<[1], [1], [0], [0], [0, 0, 1, 0], [], []>, transpose_lhs_hint = false} : vector<64x2048xf32>, vector<2048x2048xf32>, vector<64x2048xf32> -> vector<64x2048xf32>
      %get3A_16 = arith.constant 0 : index
      %get3A_17 = arith.constant 0 : index
      %get3A_18 = vector.load %arg3[%get3A_16, %get3A_17] : memref<64x1xf32, #tpu.memory_space<vmem>>, vector<64x1xf32>
      %div3A = arith.constant 1.000000e+00 : f32
      %div3A_19 = vector.broadcast %div3A : f32 to vector<64x1xf32>
      %div3A_20 = arith.divf %div3A_19, %get3A_18 : vector<64x1xf32>
      %mul3A = vector.broadcast %div3A_20 : vector<64x1xf32> to vector<64x2048xf32>
      %mul3A_21 = arith.mulf %dot_general3A_15, %mul3A : vector<64x2048xf32>
      %mul3A_22 = arith.constant 2048 : i32
      %mul3A_23 = arith.muli %arg0, %mul3A_22 : i32
      %iota3A = tpu.iota {dimensions = array<i32: 1>} : vector<64x2048xi32>
      %add3A = vector.broadcast %mul3A_23 : i32 to vector<64x2048xi32>
      %add3A_24 = arith.addi %add3A, %iota3A : vector<64x2048xi32>
      %lt3A_25 = arith.constant 100000 : i32
      %lt3A_26 = vector.broadcast %lt3A_25 : i32 to vector<64x2048xi32>
      %lt3A_27 = arith.cmpi slt, %add3A_24, %lt3A_26 : vector<64x2048xi32>
      %jit3A = arith.constant -1.000000e+30 : f32
      %broadcast_in_dim3A = vector.broadcast %jit3A : f32 to vector<64x2048xf32>
      %select_n3A = arith.select %lt3A_27, %mul3A_21, %broadcast_in_dim3A : vector<64x2048xi1>, vector<64x2048xf32>
      %mul3A_28 = arith.constant 2048 : i32
      %mul3A_29 = arith.muli %arg0, %mul3A_28 : i32
      %multiple_of3A = tpu.assume_multiple %mul3A_29, 2048 : i32
      %swap3A = arith.constant 0 : index
      %swap3A_30 = arith.index_cast %multiple_of3A : i32 to index
      %swap3A_31 = vector.load %arg7[%swap3A, %swap3A_30] : memref<64x100352xf32, #tpu.memory_space<vmem>>, vector<64x2048xf32>
      tpu.vector_store %arg7[%swap3A, %swap3A_30], %select_n3A {strides = array<i32>} : memref<64x100352xf32, #tpu.memory_space<vmem>>, vector<64x2048xf32>,
      %reduce_max3A = arith.constant dense<0xFF800000> : vector<64xf32>
      %reduce_max3A_32 = vector.multi_reduction <maximumf>, %select_n3A, %reduce_max3A [1] : vector<64x2048xf32> to vector<64xf32>
      %broadcast_in_dim3A_33 = vector.shape_cast %reduce_max3A_32 : vector<64xf32> to vector<64x1xf32>
      %argmax3A = tpu.reduce_index %select_n3A {axis = 1 : i32, kind = #tpu.reduction_kind<arg_max>} : vector<64x2048xf32> -> vector<64xi32>
      %broadcast_in_dim3A_34 = vector.shape_cast %argmax3A : vector<64xi32> to vector<64x1xi32>
      %mul3A_35 = arith.constant 2048 : i32
      %mul3A_36 = arith.muli %arg0, %mul3A_35 : i32
      %add3A_37 = vector.broadcast %mul3A_36 : i32 to vector<64x1xi32>
      %add3A_38 = arith.addi %broadcast_in_dim3A_34, %add3A_37 : vector<64x1xi32>
      %eq3A_39 = arith.constant 0 : i32
      %eq3A_40 = arith.cmpi eq, %arg0, %eq3A_39 : i32
      %convert_element_type3A_41 = arith.extui %eq3A_40 : i1 to i32
      %cond3A_42 = arith.constant 0 : i32
      %cond3A_43 = arith.cmpi ne, %convert_element_type3A_41, %cond3A_42 : i32
      scf.if %cond3A_43 {
        %swap3A_49 = arith.constant 0 : index
        %swap3A_50 = arith.constant 0 : index
        %swap3A_51 = vector.load %arg8[%swap3A_49, %swap3A_50] : memref<64x1xf32, #tpu.memory_space<vmem>>, vector<64x1xf32>
        tpu.vector_store %arg8[%swap3A_49, %swap3A_50], %broadcast_in_dim3A_33 {strides = array<i32>} : memref<64x1xf32, #tpu.memory_space<vmem>>, vector<64x1xf32>,
        %swap3A_52 = arith.constant 0 : index
        %swap3A_53 = arith.constant 0 : index
        %swap3A_54 = vector.load %arg12[%swap3A_52, %swap3A_53] : memref<64x1xi32, #tpu.memory_space<vmem>>, vector<64x1xi32>
        tpu.vector_store %arg12[%swap3A_52, %swap3A_53], %add3A_38 {strides = array<i32>} : memref<64x1xi32, #tpu.memory_space<vmem>>, vector<64x1xi32>,
      } else {
      }
      %gt3A_44 = arith.constant 0 : i32
      %gt3A_45 = arith.cmpi sgt, %arg0, %gt3A_44 : i32
      %convert_element_type3A_46 = arith.extui %gt3A_45 : i1 to i32
      %cond3A_47 = arith.constant 0 : i32
      %cond3A_48 = arith.cmpi ne, %convert_element_type3A_46, %cond3A_47 : i32
      scf.if %cond3A_48 {
        %get3A_49 = arith.constant 0 : index
        %get3A_50 = arith.constant 0 : index
        %get3A_51 = vector.load %arg8[%get3A_49, %get3A_50] : memref<64x1xf32, #tpu.memory_space<vmem>>, vector<64x1xf32>
        %gt3A_52 = arith.cmpf ogt, %broadcast_in_dim3A_33, %get3A_51 : vector<64x1xf32>
        %get3A_53 = arith.constant 0 : index
        %get3A_54 = arith.constant 0 : index
        %get3A_55 = vector.load %arg12[%get3A_53, %get3A_54] : memref<64x1xi32, #tpu.memory_space<vmem>>, vector<64x1xi32>
        %select_n3A_56 = arith.select %gt3A_52, %add3A_38, %get3A_55 : vector<64x1xi1>, vector<64x1xi32>
        %swap3A_57 = arith.constant 0 : index
        %swap3A_58 = arith.constant 0 : index
        %swap3A_59 = vector.load %arg12[%swap3A_57, %swap3A_58] : memref<64x1xi32, #tpu.memory_space<vmem>>, vector<64x1xi32>
        tpu.vector_store %arg12[%swap3A_57, %swap3A_58], %select_n3A_56 {strides = array<i32>} : memref<64x1xi32, #tpu.memory_space<vmem>>, vector<64x1xi32>,
        %get3A_60 = arith.constant 0 : index
        %get3A_61 = arith.constant 0 : index
        %get3A_62 = vector.load %arg8[%get3A_60, %get3A_61] : memref<64x1xf32, #tpu.memory_space<vmem>>, vector<64x1xf32>
        %max3A = arith.maximumf %get3A_62, %broadcast_in_dim3A_33 : vector<64x1xf32>
        %swap3A_63 = arith.constant 0 : index
        %swap3A_64 = arith.constant 0 : index
        %swap3A_65 = vector.load %arg8[%swap3A_63, %swap3A_64] : memref<64x1xf32, #tpu.memory_space<vmem>>, vector<64x1xf32>
        tpu.vector_store %arg8[%swap3A_63, %swap3A_64], %max3A {strides = array<i32>} : memref<64x1xf32, #tpu.memory_space<vmem>>, vector<64x1xf32>,
      } else {
      }
    } else {
    }
    %eq3A = arith.constant 49 : i32
    %eq3A_2 = arith.cmpi eq, %arg0, %eq3A : i32
    %convert_element_type3A_3 = arith.extui %eq3A_2 : i1 to i32
    %cond3A_4 = arith.constant 0 : i32
    %cond3A_5 = arith.cmpi ne, %convert_element_type3A_3, %cond3A_4 : i32
    scf.if %cond3A_5 {
      %get3A = arith.constant 0 : index
      %get3A_10 = arith.constant 0 : index
      %get3A_11 = vector.load %arg8[%get3A, %get3A_10] : memref<64x1xf32, #tpu.memory_space<vmem>>, vector<64x1xf32>
      %broadcast_in_dim3A = arith.constant 0.000000e+00 : f32
      %broadcast_in_dim3A_12 = vector.broadcast %broadcast_in_dim3A : f32 to vector<64x1xf32>
      %scan3A = arith.constant 0 : i32
      %scan3A_13 = arith.constant 14 : i32
      %scan3A_14 = arith.addi %scan3A, %scan3A_13 : i32
      %scan3A_15 = arith.constant 1 : i32
      %scan3A_16:4 = scf.for %scan3A_54 = %scan3A to %scan3A_14 step %scan3A_15 iter_args(%scan3A_55 = %broadcast_in_dim3A_12, %scan3A_56 = %broadcast_in_dim3A_12, %scan3A_57 = %broadcast_in_dim3A_12, %scan3A_58 = %broadcast_in_dim3A_12) -> (vector<64x1xf32>, vector<64x1xf32>, vector<64x1xf32>, vector<64x1xf32>)  : i32 {
        %mul3A_59 = arith.constant 7168 : i32
        %mul3A_60 = arith.muli %scan3A_54, %mul3A_59 : i32
        %multiple_of3A = tpu.assume_multiple %mul3A_60, 7168 : i32
        %get3A_61 = arith.constant 0 : index
        %get3A_62 = arith.index_cast %multiple_of3A : i32 to index
        %get3A_63 = vector.load %arg7[%get3A_61, %get3A_62] : memref<64x100352xf32, #tpu.memory_space<vmem>>, vector<64x7168xf32>
        %sub3A = vector.broadcast %get3A_11 : vector<64x1xf32> to vector<64x7168xf32>
        %sub3A_64 = arith.subf %get3A_63, %sub3A : vector<64x7168xf32>
        %exp3A = math.exp %sub3A_64 : vector<64x7168xf32>
        %swap3A_65 = arith.constant 0 : index
        %swap3A_66 = arith.index_cast %multiple_of3A : i32 to index
        %swap3A_67 = vector.load %arg7[%swap3A_65, %swap3A_66] : memref<64x100352xf32, #tpu.memory_space<vmem>>, vector<64x7168xf32>
        tpu.vector_store %arg7[%swap3A_65, %swap3A_66], %exp3A {strides = array<i32>} : memref<64x100352xf32, #tpu.memory_space<vmem>>, vector<64x7168xf32>,
        %reduce_sum3A = arith.constant dense<0.000000e+00> : vector<64xf32>
        %reduce_sum3A_68 = vector.multi_reduction <add>, %exp3A, %reduce_sum3A [1] : vector<64x7168xf32> to vector<64xf32>
        %broadcast_in_dim3A_69 = vector.shape_cast %reduce_sum3A_68 : vector<64xf32> to vector<64x1xf32>
        %add3A = arith.addf %scan3A_55, %broadcast_in_dim3A_69 : vector<64x1xf32>
        %gt3A_70 = arith.constant 2.38418579E-6 : f32
        %gt3A_71 = vector.broadcast %gt3A_70 : f32 to vector<64x7168xf32>
        %gt3A_72 = arith.cmpf ogt, %exp3A, %gt3A_71 : vector<64x7168xf32>
        %jit3A = arith.constant 0.000000e+00 : f32
        %broadcast_in_dim3A_73 = vector.broadcast %jit3A : f32 to vector<64x7168xf32>
        %select_n3A_74 = arith.select %gt3A_72, %exp3A, %broadcast_in_dim3A_73 : vector<64x7168xi1>, vector<64x7168xf32>
        %reduce_sum3A_75 = arith.constant dense<0.000000e+00> : vector<64xf32>
        %reduce_sum3A_76 = vector.multi_reduction <add>, %select_n3A_74, %reduce_sum3A_75 [1] : vector<64x7168xf32> to vector<64xf32>
        %broadcast_in_dim3A_77 = vector.shape_cast %reduce_sum3A_76 : vector<64xf32> to vector<64x1xf32>
        %add3A_78 = arith.addf %scan3A_56, %broadcast_in_dim3A_77 : vector<64x1xf32>
        %gt3A_79 = arith.constant 1.83105469E-4 : f32
        %gt3A_80 = vector.broadcast %gt3A_79 : f32 to vector<64x7168xf32>
        %gt3A_81 = arith.cmpf ogt, %exp3A, %gt3A_80 : vector<64x7168xf32>
        %jit3A_82 = arith.constant 0.000000e+00 : f32
        %broadcast_in_dim3A_83 = vector.broadcast %jit3A_82 : f32 to vector<64x7168xf32>
        %select_n3A_84 = arith.select %gt3A_81, %exp3A, %broadcast_in_dim3A_83 : vector<64x7168xi1>, vector<64x7168xf32>
        %reduce_sum3A_85 = arith.constant dense<0.000000e+00> : vector<64xf32>
        %reduce_sum3A_86 = vector.multi_reduction <add>, %select_n3A_84, %reduce_sum3A_85 [1] : vector<64x7168xf32> to vector<64xf32>
        %broadcast_in_dim3A_87 = vector.shape_cast %reduce_sum3A_86 : vector<64xf32> to vector<64x1xf32>
        %add3A_88 = arith.addf %scan3A_57, %broadcast_in_dim3A_87 : vector<64x1xf32>
        %gt3A_89 = arith.constant 0.013671875 : f32
        %gt3A_90 = vector.broadcast %gt3A_89 : f32 to vector<64x7168xf32>
        %gt3A_91 = arith.cmpf ogt, %exp3A, %gt3A_90 : vector<64x7168xf32>
        %jit3A_92 = arith.constant 0.000000e+00 : f32
        %broadcast_in_dim3A_93 = vector.broadcast %jit3A_92 : f32 to vector<64x7168xf32>
        %select_n3A_94 = arith.select %gt3A_91, %exp3A, %broadcast_in_dim3A_93 : vector<64x7168xi1>, vector<64x7168xf32>
        %reduce_sum3A_95 = arith.constant dense<0.000000e+00> : vector<64xf32>
        %reduce_sum3A_96 = vector.multi_reduction <add>, %select_n3A_94, %reduce_sum3A_95 [1] : vector<64x7168xf32> to vector<64xf32>
        %broadcast_in_dim3A_97 = vector.shape_cast %reduce_sum3A_96 : vector<64xf32> to vector<64x1xf32>
        %add3A_98 = arith.addf %scan3A_58, %broadcast_in_dim3A_97 : vector<64x1xf32>
        scf.yield %add3A, %add3A_78, %add3A_88, %add3A_98 : vector<64x1xf32>, vector<64x1xf32>, vector<64x1xf32>, vector<64x1xf32>
      }
      %scan3A_17 = arith.constant 14 : i32
      %get3A_18 = arith.constant 0 : index
      %get3A_19 = arith.constant 0 : index
      %get3A_20 = vector.load %arg4[%get3A_18, %get3A_19] : memref<64x1xf32, #tpu.memory_space<vmem>>, vector<64x1xf32>
      %mul3A = arith.mulf %get3A_20, %scan3A_16#0 : vector<64x1xf32>
      %broadcast_in_dim3A_21 = arith.constant 855638016 : i32
      %broadcast_in_dim3A_22 = vector.broadcast %broadcast_in_dim3A_21 : i32 to vector<64x1xi32>
      %broadcast_in_dim3A_23 = arith.constant 1065353216 : i32
      %broadcast_in_dim3A_24 = vector.broadcast %broadcast_in_dim3A_23 : i32 to vector<64x1xi32>
      %broadcast_in_dim3A_25 = arith.constant 908066816 : i32
      %broadcast_in_dim3A_26 = vector.broadcast %broadcast_in_dim3A_25 : i32 to vector<64x1xi32>
      %broadcast_in_dim3A_27 = arith.constant 960495616 : i32
      %broadcast_in_dim3A_28 = vector.broadcast %broadcast_in_dim3A_27 : i32 to vector<64x1xi32>
      %broadcast_in_dim3A_29 = arith.constant 1012924416 : i32
      %broadcast_in_dim3A_30 = vector.broadcast %broadcast_in_dim3A_29 : i32 to vector<64x1xi32>
      %le3A = arith.cmpf ole, %scan3A_16#1, %mul3A : vector<64x1xf32>
      %le3A_31 = arith.cmpf ole, %scan3A_16#2, %mul3A : vector<64x1xf32>
      %le3A_32 = arith.cmpf ole, %scan3A_16#3, %mul3A : vector<64x1xf32>
      %select_n3A = arith.select %le3A_32, %broadcast_in_dim3A_30, %broadcast_in_dim3A_24 : vector<64x1xi1>, vector<64x1xi32>
      %select_n3A_33 = arith.select %le3A_31, %broadcast_in_dim3A_28, %select_n3A : vector<64x1xi1>, vector<64x1xi32>
      %select_n3A_34 = arith.select %le3A, %broadcast_in_dim3A_26, %select_n3A_33 : vector<64x1xi1>, vector<64x1xi32>
      %select_n3A_35 = arith.select %le3A_32, %broadcast_in_dim3A_28, %broadcast_in_dim3A_30 : vector<64x1xi1>, vector<64x1xi32>
      %select_n3A_36 = arith.select %le3A_31, %broadcast_in_dim3A_26, %select_n3A_35 : vector<64x1xi1>, vector<64x1xi32>
      %select_n3A_37 = arith.select %le3A, %broadcast_in_dim3A_22, %select_n3A_36 : vector<64x1xi1>, vector<64x1xi32>
      %select_n3A_38 = arith.select %le3A_32, %scan3A_16#2, %scan3A_16#3 : vector<64x1xi1>, vector<64x1xf32>
      %select_n3A_39 = arith.select %le3A_31, %scan3A_16#1, %select_n3A_38 : vector<64x1xi1>, vector<64x1xf32>
      %select_n3A_40 = arith.select %le3A, %scan3A_16#0, %select_n3A_39 : vector<64x1xi1>, vector<64x1xf32>
      %scan3A_41 = arith.constant 0 : i32
      %scan3A_42 = arith.constant 26 : i32
      %scan3A_43 = arith.addi %scan3A_41, %scan3A_42 : i32
      %scan3A_44 = arith.constant 1 : i32
      %scan3A_45:3 = scf.for %scan3A_54 = %scan3A_41 to %scan3A_43 step %scan3A_44 iter_args(%scan3A_55 = %select_n3A_37, %scan3A_56 = %select_n3A_34, %scan3A_57 = %select_n3A_40) -> (vector<64x1xi32>, vector<64x1xi32>, vector<64x1xf32>)  : i32 {
        %sub3A = arith.subi %scan3A_56, %scan3A_55 : vector<64x1xi32>
        %shift_right_arithmetic3A = arith.constant 1 : i32
        %shift_right_arithmetic3A_58 = vector.broadcast %shift_right_arithmetic3A : i32 to vector<64x1xi32>
        %shift_right_arithmetic3A_59 = arith.shrsi %sub3A, %shift_right_arithmetic3A_58 : vector<64x1xi32>
        %add3A = arith.addi %scan3A_55, %shift_right_arithmetic3A_59 : vector<64x1xi32>
        %bitcast_convert_type3A_60 = tpu.bitcast %add3A : vector<64x1xi32> -> vector<64x1xf32>
        %get3A_61 = arith.constant 0 : index
        %get3A_62 = arith.constant 0 : index
        %get3A_63 = vector.load %arg7[%get3A_61, %get3A_62] : memref<64x100352xf32, #tpu.memory_space<vmem>>, vector<64x100352xf32>
        %gt3A_64 = vector.broadcast %bitcast_convert_type3A_60 : vector<64x1xf32> to vector<64x100352xf32>
        %gt3A_65 = arith.cmpf ogt, %get3A_63, %gt3A_64 : vector<64x100352xf32>
        %jit3A = arith.constant 0.000000e+00 : f32
        %broadcast_in_dim3A_66 = vector.broadcast %jit3A : f32 to vector<64x100352xf32>
        %select_n3A_67 = arith.select %gt3A_65, %get3A_63, %broadcast_in_dim3A_66 : vector<64x100352xi1>, vector<64x100352xf32>
        %reduce_sum3A = arith.constant dense<0.000000e+00> : vector<64xf32>
        %reduce_sum3A_68 = vector.multi_reduction <add>, %select_n3A_67, %reduce_sum3A [1] : vector<64x100352xf32> to vector<64xf32>
        %broadcast_in_dim3A_69 = vector.shape_cast %reduce_sum3A_68 : vector<64xf32> to vector<64x1xf32>
        %le3A_70 = arith.cmpf ole, %broadcast_in_dim3A_69, %mul3A : vector<64x1xf32>
        %select_n3A_71 = arith.select %le3A_70, %scan3A_55, %add3A : vector<64x1xi1>, vector<64x1xi32>
        %select_n3A_72 = arith.select %le3A_70, %add3A, %scan3A_56 : vector<64x1xi1>, vector<64x1xi32>
        %select_n3A_73 = arith.select %le3A_70, %scan3A_57, %broadcast_in_dim3A_69 : vector<64x1xi1>, vector<64x1xf32>
        scf.yield %select_n3A_71, %select_n3A_72, %select_n3A_73 : vector<64x1xi32>, vector<64x1xi32>, vector<64x1xf32>
      }
      %swap3A = arith.constant 0 : index
      %swap3A_46 = arith.constant 0 : index
      %swap3A_47 = vector.load %arg9[%swap3A, %swap3A_46] : memref<64x1xf32, #tpu.memory_space<vmem>>, vector<64x1xf32>
      tpu.vector_store %arg9[%swap3A, %swap3A_46], %scan3A_16#0 {strides = array<i32>} : memref<64x1xf32, #tpu.memory_space<vmem>>, vector<64x1xf32>,
      %bitcast_convert_type3A = tpu.bitcast %scan3A_45#1 : vector<64x1xi32> -> vector<64x1xf32>
      %swap3A_48 = arith.constant 0 : index
      %swap3A_49 = arith.constant 0 : index
      %swap3A_50 = vector.load %arg10[%swap3A_48, %swap3A_49] : memref<64x1xf32, #tpu.memory_space<vmem>>, vector<64x1xf32>
      tpu.vector_store %arg10[%swap3A_48, %swap3A_49], %bitcast_convert_type3A {strides = array<i32>} : memref<64x1xf32, #tpu.memory_space<vmem>>, vector<64x1xf32>,
      %div3A = arith.divf %scan3A_45#2, %scan3A_16#0 : vector<64x1xf32>
      %swap3A_51 = arith.constant 0 : index
      %swap3A_52 = arith.constant 0 : index
      %swap3A_53 = vector.load %arg11[%swap3A_51, %swap3A_52] : memref<64x1xf32, #tpu.memory_space<vmem>>, vector<64x1xf32>
      tpu.vector_store %arg11[%swap3A_51, %swap3A_52], %div3A {strides = array<i32>} : memref<64x1xf32, #tpu.memory_space<vmem>>, vector<64x1xf32>,
    } else {
    }
    %gt3A = arith.constant 49 : i32
    %gt3A_6 = arith.cmpi sgt, %arg0, %gt3A : i32
    %convert_element_type3A_7 = arith.extui %gt3A_6 : i1 to i32
    %cond3A_8 = arith.constant 0 : i32
    %cond3A_9 = arith.cmpi ne, %convert_element_type3A_7, %cond3A_8 : i32
    scf.if %cond3A_9 {
      %sub3A = arith.constant 49 : i32
      %sub3A_10 = arith.subi %arg0, %sub3A : i32
      %sub3A_11 = arith.constant 1 : i32
      %sub3A_12 = arith.subi %sub3A_10, %sub3A_11 : i32
      %mul3A = arith.constant 2048 : i32
      %mul3A_13 = arith.muli %sub3A_12, %mul3A : i32
      %multiple_of3A = tpu.assume_multiple %mul3A_13, 2048 : i32
      %get3A = arith.constant 0 : index
      %get3A_14 = arith.index_cast %multiple_of3A : i32 to index
      %get3A_15 = vector.load %arg7[%get3A, %get3A_14] : memref<64x100352xf32, #tpu.memory_space<vmem>>, vector<64x2048xf32>
      %get3A_16 = arith.constant 0 : index
      %get3A_17 = arith.constant 0 : index
      %get3A_18 = vector.load %arg9[%get3A_16, %get3A_17] : memref<64x1xf32, #tpu.memory_space<vmem>>, vector<64x1xf32>
      %get3A_19 = arith.constant 0 : index
      %get3A_20 = arith.constant 0 : index
      %get3A_21 = vector.load %arg11[%get3A_19, %get3A_20] : memref<64x1xf32, #tpu.memory_space<vmem>>, vector<64x1xf32>
      %mul3A_22 = arith.mulf %get3A_18, %get3A_21 : vector<64x1xf32>
      %div3A = arith.constant 1.000000e+00 : f32
      %div3A_23 = vector.broadcast %div3A : f32 to vector<64x1xf32>
      %div3A_24 = arith.divf %div3A_23, %mul3A_22 : vector<64x1xf32>
      %get3A_25 = arith.constant 0 : index
      %get3A_26 = arith.constant 0 : index
      %get3A_27 = vector.load %arg10[%get3A_25, %get3A_26] : memref<64x1xf32, #tpu.memory_space<vmem>>, vector<64x1xf32>
      %ge3A = vector.broadcast %get3A_27 : vector<64x1xf32> to vector<64x2048xf32>
      %ge3A_28 = arith.cmpf oge, %get3A_15, %ge3A : vector<64x2048xf32>
      %mul3A_29 = vector.broadcast %div3A_24 : vector<64x1xf32> to vector<64x2048xf32>
      %mul3A_30 = arith.mulf %get3A_15, %mul3A_29 : vector<64x2048xf32>
      %jit3A = arith.constant 0.000000e+00 : f32
      %broadcast_in_dim3A = vector.broadcast %jit3A : f32 to vector<64x2048xf32>
      %select_n3A = arith.select %ge3A_28, %mul3A_30, %broadcast_in_dim3A : vector<64x2048xi1>, vector<64x2048xf32>
      %swap3A = arith.constant 0 : index
      %swap3A_31 = arith.constant 0 : index
      %swap3A_32 = vector.load %arg5[%swap3A, %swap3A_31] : memref<64x2048xf32, #tpu.memory_space<vmem>>, vector<64x2048xf32>
      tpu.vector_store %arg5[%swap3A, %swap3A_31], %select_n3A {strides = array<i32>} : memref<64x2048xf32, #tpu.memory_space<vmem>>, vector<64x2048xf32>,
      %eq3A_33 = arith.constant 98 : i32
      %eq3A_34 = arith.cmpi eq, %arg0, %eq3A_33 : i32
      %convert_element_type3A_35 = arith.extui %eq3A_34 : i1 to i32
      %cond3A_36 = arith.constant 0 : i32
      %cond3A_37 = arith.cmpi ne, %convert_element_type3A_35, %cond3A_36 : i32
      scf.if %cond3A_37 {
        %get3A_38 = arith.constant 0 : index
        %get3A_39 = arith.constant 0 : index
        %get3A_40 = vector.load %arg12[%get3A_38, %get3A_39] : memref<64x1xi32, #tpu.memory_space<vmem>>, vector<64x1xi32>
        %swap3A_41 = arith.constant 0 : index
        %swap3A_42 = arith.constant 0 : index
        %swap3A_43 = vector.load %arg6[%swap3A_41, %swap3A_42] : memref<64x1xi32, #tpu.memory_space<vmem>>, vector<64x1xi32>
        tpu.vector_store %arg6[%swap3A_41, %swap3A_42], %get3A_40 {strides = array<i32>} : memref<64x1xi32, #tpu.memory_space<vmem>>, vector<64x1xi32>,
      } else {
      }
    } else {
    }
    return
  }
  func.func @transform_0(%arg0: i32) -> (i32, i32) {
    %c0_i32 = arith.constant 0 : i32
    %c0_i32_0 = arith.constant 0 : i32
    %c0_i32_1 = arith.constant 0 : i32
    return %c0_i32, %c0_i32_0 : i32, i32
  }
  func.func @transform_1(%arg0: i32) -> (i32, i32) {
    %min3A = arith.constant 48 : i32
    %min3A_0 = arith.minsi %arg0, %min3A : i32
    %c0_i32 = arith.constant 0 : i32
    %c0_i32_1 = arith.constant 0 : i32
    return %min3A_0, %c0_i32 : i32, i32
  }
  func.func @transform_2(%arg0: i32) -> (i32, i32) {
    %c0_i32 = arith.constant 0 : i32
    %c0_i32_0 = arith.constant 0 : i32
    %c0_i32_1 = arith.constant 0 : i32
    return %c0_i32, %c0_i32_0 : i32, i32
  }
  func.func @transform_3(%arg0: i32) -> (i32, i32) {
    %c0_i32 = arith.constant 0 : i32
    %c0_i32_0 = arith.constant 0 : i32
    %c0_i32_1 = arith.constant 0 : i32
    return %c0_i32, %c0_i32_0 : i32, i32
  }
  func.func @transform_4(%arg0: i32) -> (i32, i32) {
    %sub3A = arith.constant 50 : i32
    %sub3A_0 = arith.subi %arg0, %sub3A : i32
    %max3A = arith.constant 0 : i32
    %max3A_1 = arith.maxsi %max3A, %sub3A_0 : i32
    %c0_i32 = arith.constant 0 : i32
    %c0_i32_2 = arith.constant 0 : i32
    return %c0_i32, %max3A_1 : i32, i32
  }
  func.func @transform_5(%arg0: i32) -> (i32, i32) {
    %c0_i32 = arith.constant 0 : i32
    %c0_i32_0 = arith.constant 0 : i32
    %c0_i32_1 = arith.constant 0 : i32
    return %c0_i32, %c0_i32_0 : i32, i32
  }
}

</mosaic_0001>

<sc_bundles>
// kernel: kernel.4.cloned.1.call-start
scs
__scs_entry_jumppad:
0x0: {  	(pc) =	sbr.rel $0x88, $3  }
0x1: {  	(tag) =	ssettag $0x0;
	lr =	simm.s32 $0x1  }
0x2: {  	[smem:$0x3F9C] =	sst lr;
	_ =	strace $0xD0000000  }
0x3: {  	_ = 	snop  }
0x4: {  	_ = 	snop  }
0x5: {  	_ = 	snop  }
0x6: {  	_ = 	snop  }
0x7: {  	_ = 	snop  }
__scs_overlays_trampoline_lowered:
0x8: {  	[smem:$0x3FAB] =	sst s0  }
0x9: {  	[smem:$0x3FAC] =	sst s1  }
0xa: {  	[smem:$0x3FAD] =	sst s2  }
0xb: {  	[smem:$0x3FAE] =	sst s3  }
0xc: {  	[smem:$0x3FAF] =	sst s4  }
0xd: {  	[smem:$0x3FB0] =	sst s5  }
0xe: {  	[smem:$0x3FB1] =	sst s6  }
0xf: {  	[smem:$0x3FB2] =	sst s7  }
0x10: {  	[smem:$0x3FB3] =	sst s8  }
0x11: {  	[smem:$0x3FB4] =	sst s9;
	s0 =	simm.s32 @!p0 $0x0  }
0x12: {  	s1 =	sld [smem:$0x3F9A];
	s0 =	simm.s32 @p0 $0x1  }
0x13: {  	[smem:$0x3FB5] =	sst s0;
	s0 =	simm.s32 @!p1 $0x0  }
0x14: {  	s2 =	sld [smem:$0x3F99];
	s0 =	simm.s32 @p1 $0x1  }
0x15: {  	[smem:$0x3FB6] =	sst s0;
	s0 =	simm.s32 @!p2 $0x0  }
0x16: {  	s3 =	sld [smem:$0x3FDB];
	s0 =	simm.s32 @p2 $0x1  }
0x17: {  	s4 =	simm.s32 $0x1BF5;
	[smem:$0x3FB8] =	sst s0  }
0x18: {  	s0 =	sld [smem:$0x3F9B];
	_ =	swait.ge [sflag:s4], $0x0  }
0x19: {  	s7 =	sld [smem:$0x3F9C]  }
0x1a: {  	s8 =	sadd.s32 $0xFFFFE003, lr  }
0x1b: {  	s9 =	sadd.s32 $0xFFFFFEF7, lr;
	s5 =	simm.s32 $0xFFFFFFFF;
	p2 =	slt.u32 s8, $0xFFFFF086  }
0x1c: {  	p1 =	slt.u32 s9, $0xF7A;
	s5 =	simm.s32 @!p2 $0x0  }
0x1d: {  	s5 =	simm.s32 @p1 $0x1;
	p0 =	seq.s32 s7, s2  }
0x1e: {  	s7 =	smul.u32 @!p0 $0xF7A, s2;
	p2 =	seq.s32 @!p0 s5, $0x0  }
0x1f: {  	s9 =	smul.u32 $0xF7A, s1;
	s8 =	simm.s32 @!p0 $0x1BF5;
	p2 =	por !p2, p0  }
0x20: {  	[sflag:s8] =	ssyncset.s32 @!p0 $0xFFFFF086;
	s6 =	sadd.s32 @!p0 s3, s7;
	s7 =	simm.s32 @!p0 $0x108  }
0x21: {  	s3 =	sadd.s32 s3, s9;
	s6 =	sadd.s32 @!p0 $0x88, s6;
	s7 =	simm.s32 @p2 $0x1082  }
0x22: {  	[simem:s7], [sflag:s8] =	dma.local @!p0 [hbm:s6], $0xF7A  }
0x23: {  	s9 =	sor.u32 $0xD0000000, s2;
	s6 =	simm.s32 $0x108;
	_ =	swait.ge @!p0 [sflag:s8], $0x0  }
0x24: {  	s3 =	sadd.s32 $0x88, s3;
	s6 =	simm.s32 @!p1 $0x1082;
	[sflag:s4] =	ssyncset.s32 $0xFFFFF086  }
0x25: {  	[simem:s6], [sflag:s4] =	dma.local [hbm:s3], $0xF7A  }
0x26: {  	[smem:$0x3F9C] =	sst s1;
	(tag) =	ssettag s2;
	_ =	strace s9  }
0x27: {  	s1 =	sld [smem:$0x3FAC]  }
0x28: {  	s2 =	sld [smem:$0x3FAD]  }
0x29: {  	s4 =	sld [smem:$0x3FAF]  }
0x2a: {  	p0 =	seq.s32 s5, $0x0;
	s5 =	sld [smem:$0x3FB0]  }
0x2b: {  	s6 =	sld [smem:$0x3FB1]  }
0x2c: {  	s7 =	sld [smem:$0x3FB2]  }
0x2d: {  	s3 =	simm.s32 $0x108;
	s8 =	sld [smem:$0x3FB3]  }
0x2e: {  	s3 =	simm.s32 @!p0 $0x1082;
	s9 =	sld [smem:$0x3FB4]  }
0x2f: {  	lr =	sadd.s32 s0, s3;
	s0 =	sld [smem:$0x3FAB]  }
0x30: {  	s3 =	sld [smem:$0x3FAE]  }
0x31: {  	[smem:$0x3FB7] =	sst s10  }
0x32: {  	s10 =	sld [smem:$0x3FB5];
	_ =	sdelay $0x3  }
0x33: {  	p0 =	seq.s32 s10, $0x1;
	s10 =	sld [smem:$0x3FB7];
	_ =	sdelay $0x3  }
0x34: {  	[smem:$0x3FB7] =	sst s10  }
0x35: {  	s10 =	sld [smem:$0x3FB6];
	_ =	sdelay $0x3  }
0x36: {  	p1 =	seq.s32 s10, $0x1;
	s10 =	sld [smem:$0x3FB7];
	_ =	sdelay $0x3  }
0x37: {  	[smem:$0x3FB7] =	sst s10  }
0x38: {  	s10 =	sld [smem:$0x3FB8]  }
0x39: {  	_ = 	snop;
	(pc) =	sbr.ind lr, $3  }
0x3a: {  	_ = 	snop  }
0x3b: {  	_ = 	snop  }
0x3c: {  	p2 =	seq.s32 s10, $0x1;
	s10 =	sld [smem:$0x3FB7]  }
0x3d: {  	_ =	shalt  }
0x3e: {  	_ =	shalt  }
0x3f: {  	_ =	shalt  }
0x40: {  	_ =	shalt  }
0x41: {  	_ =	shalt  }
0x42: {  	_ =	shalt  }
0x43: {  	_ =	shalt  }
0x44: {  	_ =	shalt  }
0x45: {  	_ =	shalt  }
0x46: {  	_ =	shalt  }
0x47: {  	_ =	shalt  }
0x48: {  	_ =	shalt  }
0x49: {  	_ =	shalt  }
0x4a: {  	_ =	shalt  }
0x4b: {  	_ =	shalt  }
0x4c: {  	_ =	shalt  }
0x4d: {  	_ =	shalt  }
0x4e: {  	_ =	shalt  }
0x4f: {  	_ =	shalt  }
0x50: {  	_ =	shalt  }
0x51: {  	_ =	shalt  }
0x52: {  	_ =	shalt  }
0x53: {  	_ =	shalt  }
0x54: {  	_ =	shalt  }
0x55: {  	_ =	shalt  }
0x56: {  	_ =	shalt  }
0x57: {  	_ =	shalt  }
0x58: {  	_ =	shalt  }
0x59: {  	_ =	shalt  }
0x5a: {  	_ =	shalt  }
0x5b: {  	_ =	shalt  }
0x5c: {  	_ =	shalt  }
0x5d: {  	_ =	shalt  }
0x5e: {  	_ =	shalt  }
0x5f: {  	_ =	shalt  }
0x60: {  	_ =	shalt  }
0x61: {  	_ =	shalt  }
0x62: {  	_ =	shalt  }
0x63: {  	_ =	shalt  }
0x64: {  	_ =	shalt  }
0x65: {  	_ =	shalt  }
0x66: {  	_ =	shalt  }
0x67: {  	_ =	shalt  }
0x68: {  	_ =	shalt  }
0x69: {  	_ =	shalt  }
0x6a: {  	_ =	shalt  }
0x6b: {  	_ =	shalt  }
0x6c: {  	_ =	shalt  }
0x6d: {  	_ =	shalt  }
0x6e: {  	_ =	shalt  }
0x6f: {  	_ =	shalt  }
0x70: {  	_ =	shalt  }
0x71: {  	_ =	shalt  }
0x72: {  	_ =	shalt  }
0x73: {  	_ =	shalt  }
0x74: {  	_ =	shalt  }
0x75: {  	_ =	shalt  }
0x76: {  	_ =	shalt  }
0x77: {  	_ =	shalt  }
0x78: {  	_ =	shalt  }
0x79: {  	_ =	shalt  }
0x7a: {  	_ =	shalt  }
0x7b: {  	_ =	shalt  }
0x7c: {  	_ =	shalt  }
0x7d: {  	_ =	shalt  }
0x7e: {  	_ =	shalt  }
0x7f: {  	_ =	shalt  }
0x80: {  	_ =	shalt  }
0x81: {  	_ =	shalt  }
0x82: {  	_ =	shalt  }
0x83: {  	_ =	shalt  }
0x84: {  	_ =	shalt  }
0x85: {  	_ =	shalt  }
0x86: {  	_ =	shalt  }
0x87: {  	_ =	shalt  }
.Lfunc_end0:
.L_simem_size_0:
called_computation_lowered:
.L_overlay_start_0:
0x88: {  	s2 =	sld [smem:$0x3FD9]  }
0x89: {  	s3 =	sld [smem:$0x3FFE];
	_ =	sdelay $0x1  }
0x8a: {  	s1 =	srdreg.scid  }
0x8b: {  	s0 =	sand.u32 $0x1, s1  }
0x8c: {  	s17 =	sshll.u32 s0, $0xA;
	s2 =	sadd.s32 s3, s2  }
0x8d: {  	s2 =	sadd.s32 s2, s17  }
0x8e: {  	[smem:$0x3FC3] =	sst s2  }
0x8f: {  	_ = 	snop  }
0x90: {  	s2 =	sld [smem:$0x3FC8]  }
0x91: {  	s18 =	sld [smem:$0x3FC7];
	(tm) =	ssettm $0x1  }
0x92: {  	s4 =	sld [smem:$0x3FFB];
	_ =	sdelay $0x3  }
0x93: {  	_ =	strace s4  }
0x94: {  	s4 =	sld [smem:$0x3FFC];
	_ =	sdelay $0x3  }
0x95: {  	_ =	strace s4  }
0x96: {  	s4 =	sld [smem:$0x3FFD];
	_ =	sdelay $0x3  }
0x97: {  	_ =	strace s4  }
0x98: {  	_ =	strace $0x8FFFFFFF  }
0x99: {  	s19 =	sld [smem:$0x3FDB];
	_ =	sdelay $0x1  }
0x9a: {  	s5 =	simm.s32 $_scs_section_size  }
0x9b: {  	s6 =	simm.s32 $_size__tile_overlayer_lowered;
	s7 =	simm.s32 $_tile_overlayer_lowered  }
0x9c: {  	s22 =	simm.s32 $0x1BFF;
	s21 =	sshll.u32 s7, $0x1;
	s4 =	sadd.s32 s5, s19  }
0x9d: {  	s8 =	simm.s32 $0x0;
	s20 =	sshll.u32 s6, $0x1;
	s6 =	sadd.s32 s21, s4  }
0x9e: {  	[timem:s8], [sflag:s22] =	dma.local [hbm:s6], s20  }
0x9f: {  	_ =	swait.ge [sflag:s22], s20  }
0xa0: {  	s5 =	ssub.s32 $0x0, s20;
	[sflag:s22] =	ssyncset.done $0x0  }
0xa1: {  	[sflag:s22] =	ssyncadd.s32 s5;
	_ =	sdelay $0x1  }
0xa2: {  	s23 =	simm.s32 $0x1B8B  }
0xa3: {  	_ =	swait.ge [sflag:s23], $0x1  }
0xa4: {  	[sflag:s23] =	ssyncset.done $0x0  }
0xa5: {  	s25 =	simm.s32 $0x1B8E;
	s24 =	sld [smem:$0x3FFE];
	[sflag:s23] =	ssyncadd.s32 $0xFFFFFFFF  }
0xa6: {  	s26 =	simm.s32 $execute0_lowered;
	[smem:$0x3FD2] =	sst s25  }
0xa7: {  	s6 =	sshll.u32 s26, $0x1;
	_ =	strace $0x80000046;
	[dreg:$0x1] =	wrdreg $0xFFFFFFFF  }
0xa8: {  	s28 =	simm.s32 $_size_execute0_lowered;
	s4 =	sadd.s32 s4, s6;
	[dreg:$0x0] =	wrdreg $0x0  }
0xa9: {  	s6 =	sshll.u32 s28, $0x1;
	[dreg:$0x2] =	wrdreg s4  }
0xaa: {  	[dreg:$0x3] =	wrdreg s6  }
0xab: {  	[dreg:$0x4] =	wrdreg $0xC0  }
0xac: {  	_ =	task [dreg:s8], $0x5FFFF  }
0xad: {  	[dreg:$0x1] =	wrdreg $0xFFFFFFFF  }
0xae: {  	[dreg:$0x0] =	wrdreg $0x60  }
0xaf: {  	[dreg:$0x2] =	wrdreg s2  }
0xb0: {  	[dreg:$0x3] =	wrdreg s18  }
0xb1: {  	[dreg:$0x4] =	wrdreg s24  }
0xb2: {  	[dreg:$0x5] =	wrdreg $0x9  }
0xb3: {  	_ =	task.clear_ibuf [dreg:s8], $0x6FFFF;
	_ =	strace $0x90000046  }
0xb4: {  	s29 =	simm.s32 $0x9;
	_ =	strace $0x80000048  }
0xb5: {  	_ =	swait.ge [sflag:s29], $0x1  }
0xb6: {  	[sflag:s29] =	ssyncadd.s32 $0xFFFFFFFF  }
0xb7: {  	_ =	strace $0x90000048  }
0xb8: {  	_ =	sfence  }
0xb9: {  	s30 =	sld [smem:$0x0];
	_ =	sdelay $0x2  }
0xba: {  	s31 =	sshll.u32 s1, $0xD;
	s1 =	sshrl.u32 s1, $0x2  }
0xbb: {  	s3 =	sand.u32 $0x4000, s31;
	s1 =	sadd.s32 s1, s30  }
0xbc: {  	s0 =	sor.u32 s3, s0;
	s1 =	sshll.u32 s1, $0x11  }
0xbd: {  	s0 =	sor.u32 s1, s0  }
0xbe: {  	s0 =	sadd.s32 $0x8F2B, s0  }
0xbf: {  	[sflag:s0] =	ssyncadd.remote.s32 $0x1  }
0xc0: {  	_ =	sfence.sel $0xFFFF  }
0xc1: {  	[dreg:$0x0] =	wrdreg $0xFFFFFFFF;
	(pc) =	sbr.abs _section_cstart, $3  }
0xc2: {  	[dreg:$0x1] =	wrdreg $0xFFFFFFFF  }
0xc3: {  	_ =	task.clear_ibuf [dreg:s8], $0x2FFFF;
	_ =	strace $0x9FFFFFFF  }
0xc4: {  	(tm) =	ssettm $0x7FFFFFFF  }
0xc5: {  	_ =	shalt  }
tec
execute0_lowered:
.L_overlay_start_1:
0x0: {  	(tag) =	ssettag $0x1  }
0x1: {  	s1 =	stileid.u32  }
0x2: {  	p0 =	sgt.u32 s1, $0x3  }
.Ltmp0:
0x3: {  	s2 =	rddreg [dreg:$0x0];
	(pc) =	sbr.rel @p0 .LBB2_4-.Ltmp0, $4  }
0x4: {  	s4 =	rddreg [dreg:$0x1]  }
0x5: {  	s22 =	rddreg [dreg:$0x2];
	s3 =	simm.s32 $0x0  }
0x6: {  	[smem:$0x7FF] =	sst s3  }
0x7: {  	s0 =	rddreg [dreg:$0x3];
	_ =	strace $0x80000047  }
0x8: {  	s5 =	srdreg.scid  }
0x9: {  	s30 =	sshll.u32 s1, $0x1;
	s20 =	sand.u32 $0x1, s5  }
0xa: {  	s23 =	sor.u32 s20, s30  }
0xb: {  	s5 =	sadd.s32 s4, s23;
	s4 =	simm.s32 $0x2  }
0xc: {  	[tilespmem:s3], [sflag:$0x2] =	stream.linear.gather [hbm4b:s5+s3], $0x8, $0x38;
	[tilespmem:$0x4080] =	vst v63  }
0xd: {  	_ =	swait.ge [sflag:s4], $0x8  }
0xe: {  	[sflag:s4] =	ssyncset.done $0x0  }
0xf: {  	[sflag:s4] =	ssyncadd.s32 $0xFFFFFFF8  }
0x10: {  	v0 =	vld.msk [tilespmem:$0x0], $0xff;
	_ =	sdelay $0x4  }
0x11: {  	v1 =	vshll.u32 v0, $0x4  }
0x12: {  	v2 =	vlaneseq.u32;
	v3 =	vand.u32 $0x7, v0;
	v1 =	vand.u32 $0xFFFFFF80, v1  }
0x13: {  	v0 =	vand.u32 $0x7, v2;
	v2 =	vshrl.u32 v2, $0x3;
	v3 =	vor.u32 v3, v1  }
0x14: {  	v1 =	vmul.u32 $0x8, v2;
	v2 =	vperm.xlane v3, v0;
	_ =	sdelay $0x1  }
0x15: {  	v2 =	vadd.s32 v1, v2;
	_ =	sdelay $0x3  }
0x16: {  	vm0 =	vmmov $0xffff;
	s6 =	simm.s32 $0x80  }
0x17: {  	[tilespmem:s6], [sflag:$0x1] =	stream.indirect_vreg.gather [hbm4b:s2+s3], $0x80, v2, vm0, $0xb8;
	[tilespmem:$0x4080] =	vst v63  }
0x18: {  	s7 =	sadd.s32 $0x100, s2;
	s8 =	simm.s32 $0x880;
	s9 =	sadd.s32 $0x200, s2  }
0x19: {  	[tilespmem:s8], [sflag:$0x1] =	stream.indirect_vreg.gather [hbm4b:s7+s3], $0x80, v2, vm0, $0xb8;
	[tilespmem:$0x4080] =	vst v63  }
0x1a: {  	s10 =	simm.s32 $0x1080;
	s11 =	sadd.s32 $0x300, s2;
	s12 =	simm.s32 $0x1880  }
0x1b: {  	[tilespmem:s10], [sflag:$0x1] =	stream.indirect_vreg.gather [hbm4b:s9+s3], $0x80, v2, vm0, $0xb8;
	[tilespmem:$0x4080] =	vst v63  }
0x1c: {  	s13 =	sadd.s32 $0x400, s2;
	s14 =	simm.s32 $0x2080;
	s15 =	sadd.s32 $0x500, s2  }
0x1d: {  	[tilespmem:s12], [sflag:$0x1] =	stream.indirect_vreg.gather [hbm4b:s11+s3], $0x80, v2, vm0, $0xb8;
	[tilespmem:$0x4080] =	vst v63  }
0x1e: {  	s16 =	simm.s32 $0x2880;
	s17 =	sadd.s32 $0x600, s2;
	s24 =	ssub.s32 $0x2, s20  }
0x1f: {  	[tilespmem:s14], [sflag:$0x1] =	stream.indirect_vreg.gather [hbm4b:s13+s3], $0x80, v2, vm0, $0xb8;
	[tilespmem:$0x4080] =	vst v63  }
0x20: {  	s18 =	sadd.s32 $0x700, s2;
	s19 =	simm.s32 $0x3080;
	s25 =	sshrl.u32 s24, $0x1  }
0x21: {  	[tilespmem:s16], [sflag:$0x1] =	stream.indirect_vreg.gather [hbm4b:s15+s3], $0x80, v2, vm0, $0xb8;
	[tilespmem:$0x4080] =	vst v63  }
0x22: {  	s21 =	simm.s32 $0x1;
	s23 =	sshll.u32 s23, $0xB;
	s31 =	ssub.s32 s24, s25  }
0x23: {  	[tilespmem:s19], [sflag:$0x1] =	stream.indirect_vreg.gather [hbm4b:s17+s3], $0x80, v2, vm0, $0xb8;
	[tilespmem:$0x4080] =	vst v63  }
0x24: {  	s20 =	simm.s32 $0x3880;
	s22 =	sadd.s32 s23, s22;
	s23 =	smax.u32 s31, $0x1  }
0x25: {  	[tilespmem:s20], [sflag:$0x1] =	stream.indirect_vreg.gather [hbm4b:s18+s3], $0x80, v2, vm0, $0xb8;
	[tilespmem:$0x4080] =	vst v63  }
0x26: {  	p0 =	sne.s32 s23, $0x1;
	_ =	swait.ge [sflag:s21], $0x4000  }
.Ltmp1:
0x27: {  	[sflag:s21] =	ssyncset.done $0x0;
	(pc) =	sbr.rel @!p0 .LBB2_3-.Ltmp1, $4  }
0x28: {  	s22 =	sadd.s32 $0x600, s22;
	[sflag:s21] =	ssyncadd.s32 $0xFFFFC000  }
0x29: {  	[hbm4b:s22+s3] =	stream.linear.scatter [tilespmem:s6], [sflag:$0x2], $0x4000, $0x38;
	[tilespmem:$0x4080] =	vst v63  }
0x2a: {  	_ =	swait.ge [sflag:s4], $0x4000  }
0x2b: {  	s23 =	sadd.s32 $0xFFFFFFFF, s23;
	[sflag:s4] =	ssyncset.done $0x0  }
.LBB2_2:
0x2c: {  	p0 =	sne.s32 s23, $0x1;
	s23 =	sadd.s32 $0xFFFFFFFF, s23;
	[sflag:s4] =	ssyncadd.s32 $0xFFFFC000  }
0x2d: {  	[tilespmem:s3], [sflag:$0x2] =	stream.linear.gather [hbm4b:s5+s3], $0x8, $0x38;
	[tilespmem:$0x4080] =	vst v63  }
0x2e: {  	_ =	swait.ge [sflag:s4], $0x8  }
0x2f: {  	[sflag:s4] =	ssyncset.done $0x0  }
0x30: {  	[sflag:s4] =	ssyncadd.s32 $0xFFFFFFF8  }
0x31: {  	v2 =	vld.msk [tilespmem:$0x0], $0xff;
	_ =	sdelay $0x4  }
0x32: {  	v3 =	vshll.u32 v2, $0x4  }
0x33: {  	v2 =	vand.u32 $0x7, v2;
	v3 =	vand.u32 $0xFFFFFF80, v3  }
0x34: {  	v2 =	vor.u32 v2, v3  }
0x35: {  	v2 =	vperm.xlane v2, v0;
	_ =	sdelay $0x1  }
0x36: {  	v2 =	vadd.s32 v1, v2;
	_ =	sdelay $0x4  }
0x37: {  	[tilespmem:s6], [sflag:$0x1] =	stream.indirect_vreg.gather [hbm4b:s2+s3], $0x80, v2, vm0, $0xb8;
	[tilespmem:$0x4080] =	vst v63  }
0x38: {  	_ = 	snop  }
0x39: {  	[tilespmem:s8], [sflag:$0x1] =	stream.indirect_vreg.gather [hbm4b:s7+s3], $0x80, v2, vm0, $0xb8;
	[tilespmem:$0x4080] =	vst v63  }
0x3a: {  	_ = 	snop  }
0x3b: {  	[tilespmem:s10], [sflag:$0x1] =	stream.indirect_vreg.gather [hbm4b:s9+s3], $0x80, v2, vm0, $0xb8;
	[tilespmem:$0x4080] =	vst v63  }
0x3c: {  	_ = 	snop  }
0x3d: {  	[tilespmem:s12], [sflag:$0x1] =	stream.indirect_vreg.gather [hbm4b:s11+s3], $0x80, v2, vm0, $0xb8;
	[tilespmem:$0x4080] =	vst v63  }
0x3e: {  	_ = 	snop  }
0x3f: {  	[tilespmem:s14], [sflag:$0x1] =	stream.indirect_vreg.gather [hbm4b:s13+s3], $0x80, v2, vm0, $0xb8;
	[tilespmem:$0x4080] =	vst v63  }
0x40: {  	_ = 	snop  }
0x41: {  	[tilespmem:s16], [sflag:$0x1] =	stream.indirect_vreg.gather [hbm4b:s15+s3], $0x80, v2, vm0, $0xb8;
	[tilespmem:$0x4080] =	vst v63  }
0x42: {  	_ = 	snop  }
0x43: {  	[tilespmem:s19], [sflag:$0x1] =	stream.indirect_vreg.gather [hbm4b:s17+s3], $0x80, v2, vm0, $0xb8;
	[tilespmem:$0x4080] =	vst v63  }
0x44: {  	_ = 	snop  }
0x45: {  	[tilespmem:s20], [sflag:$0x1] =	stream.indirect_vreg.gather [hbm4b:s18+s3], $0x80, v2, vm0, $0xb8;
	[tilespmem:$0x4080] =	vst v63  }
0x46: {  	_ =	swait.ge [sflag:s21], $0x4000  }
.Ltmp2:
0x47: {  	[sflag:s21] =	ssyncset.done $0x0;
	(pc) =	sbr.rel @p0 .LBB2_2-.Ltmp2, $4  }
0x48: {  	[sflag:s21] =	ssyncadd.s32 $0xFFFFC000  }
0x49: {  	[hbm4b:s22+s3] =	stream.linear.scatter [tilespmem:s6], [sflag:$0x2], $0x4000, $0x38;
	[tilespmem:$0x4080] =	vst v63  }
0x4a: {  	_ =	swait.ge [sflag:s4], $0x4000  }
0x4b: {  	[sflag:s4] =	ssyncset.done $0x0  }
.LBB2_3:
0x4c: {  	[sflag:s4] =	ssyncadd.s32 $0xFFFFC000  }
.LBB2_4:
0x4d: {  	_ =	sfence.sel $0x180000  }
0x4e: {  	[bflag:$0x0] =	sbarrier.arrive $0xFFFF  }
0x4f: {  	p0 =	sne.s32 s1, $0x0;
	_ =	strace $0x90000047  }
0x50: {  	s0 =	sadd.s32 @!p0 $0x100000, s0;
	[bflag:$0x2] =	sbarrier.arrive $0xFFFF  }
0x51: {  	[sflag:s0] =	ssyncadd.tile.s32 @!p0 $0x1;
	_ =	shalt  }
.Lfunc_end2:
_tile_overlayer_lowered:
.L_overlay_start_2:
0x52: {  	(tag) =	ssettag $0x2  }
0x53: {  	s0 =	rddreg [dreg:$0x0];
	s2 =	stileid.u32  }
0x54: {  	s1 =	rddreg [dreg:$0x1];
	p0 =	sne.s32 s2, $0x0  }
0x55: {  	s3 =	rddreg [dreg:$0x2];
	[bflag:$0x3] =	sbarrier.arrive $0xFFFF;
	s2 =	simm.s32 @!p0 $0x1C02  }
0x56: {  	[timem:s3], [sflag:s2] =	dma.local @!p0 [hbm:s0], s1  }
0x57: {  	s0 =	simm.s32 @!p0 $0x2  }
0x58: {  	_ =	swait.ge @!p0 [sflag:s0], s1  }
0x59: {  	s1 =	ssub.s32 @!p0 $0x0, s1;
	[sflag:s0] =	ssyncset.done @!p0 $0x0  }
0x5a: {  	[sflag:s0] =	ssyncadd.s32 @!p0 s1  }
0x5b: {  	[bflag:$0x3] =	sbarrier.arrive $0xFFFF  }
0x5c: {  	_ =	shalt  }

</sc_bundles>
